<compile_context>
chip_gen: v7x
topology: tpu7x:2x2x1
jax: 0.10.2.dev20260603
libtpu: 0.0.44.dev20260713+nightly
codegen_flags: <defaults>
</compile_context>

<pallas_src>
import jax
import jax.numpy as jnp
from jax import lax
from jax.experimental import pallas as pl
from jax.experimental.pallas import tpu as pltpu
from jax.experimental.pallas import tpu_sc as plsc

_BATCH = 16384
_FIELDS = 26
_CHUNK_OUT = 32
_N_CHUNKS = 4
_OUT_DIM = _N_CHUNKS * _CHUNK_OUT
_B_FLAT = _BATCH * _FIELDS
_L = 128
_NW = 32
_ROWS_PER_W = _B_FLAT // (_NW * _L)
_TROWS = 1000000
_BR = 2048

_mesh = plsc.VectorSubcoreMesh(core_axis_name="core", subcore_axis_name="subcore")


def _concat_tables(t0, t1, t2, t3):
    return jnp.concatenate([t0, t1, t2, t3], axis=1)


@jax.jit
def kernel(indices, table_0, table_1, table_2, table_3):
    idx = indices.reshape(_B_FLAT // _L, _L).astype(jnp.int32)
    tcat = _concat_tables(table_0, table_1, table_2, table_3)

    @pl.kernel(
        out_type=jax.ShapeDtypeStruct((_B_FLAT, _OUT_DIM), jnp.float32),
        mesh=_mesh,
        scratch_types=[
            pltpu.VMEM((2, _L), jnp.int32),
            pltpu.VMEM((_L, _OUT_DIM), jnp.float32),
            pltpu.VMEM((_L, _OUT_DIM), jnp.float32),
            pltpu.SemaphoreType.DMA,
            pltpu.SemaphoreType.DMA,
            pltpu.SemaphoreType.DMA,
            pltpu.SemaphoreType.DMA,
            pltpu.SemaphoreType.DMA,
        ],
    )
    def k(idx_hbm, t_hbm, o_hbm, idx_v, gb0, gb1, sg0, sg1, si, so0, so1):
        gbs = (gb0, gb1)
        sgs = (sg0, sg1)
        sos = (so0, so1)
        wid = lax.axis_index("subcore") * 2 + lax.axis_index("core")
        row0 = wid * _ROWS_PER_W

        def chunk_body(c, p):
            pn = 1 - p
            irow = row0 + c

            @pl.when(c < _ROWS_PER_W - 1)
            def _():
                pltpu.async_copy(idx_hbm.at[irow + 1], idx_v.at[pn], si)

            pltpu.make_async_copy(t_hbm.at[idx_v.at[p]], gbs[p], sgs[p]).wait()
            pltpu.async_copy(gbs[p], o_hbm.at[pl.ds(irow * _L, _L)], sos[p])

            @pl.when(c < _ROWS_PER_W - 1)
            def _():
                pltpu.make_async_copy(idx_hbm.at[irow + 1], idx_v.at[pn], si).wait()

                @pl.when(c >= 1)
                def _():
                    pltpu.make_async_copy(
                        gbs[pn], o_hbm.at[pl.ds((irow - 1) * _L, _L)], sos[pn]
                    ).wait()

                pltpu.async_copy(t_hbm.at[idx_v.at[pn]], gbs[pn], sgs[pn])

        pltpu.sync_copy(idx_hbm.at[row0], idx_v.at[0])
        pltpu.async_copy(t_hbm.at[idx_v.at[0]], gb0, sg0)

        @pl.loop(0, _ROWS_PER_W // 2)
        def _(cc):
            chunk_body(cc * 2, 0)
            chunk_body(cc * 2 + 1, 1)

        last = row0 + _ROWS_PER_W - 1
        pltpu.make_async_copy(
            gb0, o_hbm.at[pl.ds((last - 1) * _L, _L)], so0
        ).wait()
        pltpu.make_async_copy(
            gb1, o_hbm.at[pl.ds(last * _L, _L)], so1
        ).wait()

    out = k(idx, tcat)
    return out.reshape(_BATCH, _FIELDS, _OUT_DIM)

# --- scband reference (transcript-rebuilt; emitter-appended) ---
"""Pipeline reference for scband-split-embedding-52304111731247 (READ-ONLY COPY).

The authoritative reference and input builder live on the scoring server;
editing this copy changes nothing except your own understanding.
"""

import jax, jax.numpy as jnp
import numpy as np

INPUT_DIM = 1000000
OUTPUT_DIM = 128
N_CHUNKS = 4  # determined by max_chunk_size=2**25: 1e6*32 < 2**25
CHUNK_OUT = OUTPUT_DIM // N_CHUNKS
BATCH = 16384
FIELDS = 26


def setup_inputs(seed: int = 0) -> dict:
    key = jax.random.key(seed)
    k_idx, key = jax.random.split(key)
    indices = jax.random.randint(k_idx, (BATCH, FIELDS), 0, INPUT_DIM, dtype=jnp.int64 if jax.config.read('jax_enable_x64') else jnp.int32)
    maxval = float(np.sqrt(1.0 / INPUT_DIM))
    tables = []
    for i in range(N_CHUNKS):
        kt, key = jax.random.split(key)
        tables.append(jax.random.uniform(kt, (INPUT_DIM, CHUNK_OUT), minval=-maxval, maxval=maxval, dtype=jnp.float32))
    inp = {'indices': indices}
    for i, t in enumerate(tables):
        inp[f'table_{i}'] = t
    return inp


def reference(indices, table_0, table_1, table_2, table_3):
    tables = [table_0, table_1, table_2, table_3]
    outputs = []
    for t in tables:
        # tf.gather(params=table, indices=indices) -> [B, F, chunk_out]
        outputs.append(jnp.take(t, indices, axis=0))
    return jnp.concatenate(outputs, axis=2)

if __name__ == "__main__":
    import jax
    _d = setup_inputs()
    print(jax.jit(kernel)(*tuple(_d.values())))

</pallas_src>

<mosaic_0001>
#map = affine_map<(d0, d1) -> (0, 0)>
module attributes {stable_mosaic.version = 14 : i64} {
  func.func @k(%arg0: i32, %arg1: i32, %arg2: memref<3328x128xi32, #tpu.memory_space<hbm>>, %arg3: memref<1000000x128xf32, #tpu.memory_space<hbm>>, %arg4: memref<425984x128xf32, #tpu.memory_space<hbm>>, %arg5: memref<2x128xi32, #tpu.memory_space<vmem>>, %arg6: memref<128x128xf32, #tpu.memory_space<vmem>>, %arg7: memref<128x128xf32, #tpu.memory_space<vmem>>, %arg8: memref<!tpu.dma_semaphore, #tpu.memory_space<semaphore_mem>>, %arg9: memref<!tpu.dma_semaphore, #tpu.memory_space<semaphore_mem>>, %arg10: memref<!tpu.dma_semaphore, #tpu.memory_space<semaphore_mem>>, %arg11: memref<!tpu.dma_semaphore, #tpu.memory_space<semaphore_mem>>, %arg12: memref<!tpu.dma_semaphore, #tpu.memory_space<semaphore_mem>>) attributes {dimension_semantics = [#tpu.dimension_semantics<core_parallel>, #tpu.dimension_semantics<subcore_parallel>], iteration_bounds = array<i64: 2, 16>, scalar_prefetch = 0 : i64, scratch_operands = 8 : i64, tpu.core_type = #tpu.core_type<sc_vector_subcore>, window_params = [{transform_indices = #map}, {transform_indices = #map}, {transform_indices = #map}]} {
    %mul3A = arith.constant 2 : i32
    %mul3A_0 = arith.muli %arg1, %mul3A : i32
    %add3A = arith.addi %mul3A_0, %arg0 : i32
    %mul3A_1 = arith.constant 104 : i32
    %mul3A_2 = arith.muli %add3A, %mul3A_1 : i32
    %run_scoped3A = arith.constant 0 : i32
    "tpu.region"() ({
      %run_scoped3A_29 = tpu.sem_alloc : memref<!tpu.dma_semaphore, #tpu.memory_space<semaphore_mem>>
      %dma_start3A_30 = arith.constant 0 : i32
      %dma_start3A_31 = tpu.memref_slice %arg5[%run_scoped3A, %dma_start3A_30] : memref<2x128xi32, #tpu.memory_space<vmem>> -> memref<1x128xi32, #tpu.memory_space<vmem>>
      %dma_start3A_32 = tpu.memref_squeeze %dma_start3A_31 : memref<1x128xi32, #tpu.memory_space<vmem>> -> memref<128xi32, #tpu.memory_space<vmem>>
      %dma_start3A_33 = arith.constant 0 : i32
      %dma_start3A_34 = tpu.memref_slice %arg2[%mul3A_2, %dma_start3A_33] : memref<3328x128xi32, #tpu.memory_space<hbm>> -> memref<1x128xi32, #tpu.memory_space<hbm>>
      %dma_start3A_35 = tpu.memref_squeeze %dma_start3A_34 : memref<1x128xi32, #tpu.memory_space<hbm>> -> memref<128xi32, #tpu.memory_space<hbm>>
      %dma_start3A_36 = arith.constant 0 : i32
      %dma_start3A_37 = tpu.memref_slice %arg5[%run_scoped3A, %dma_start3A_36] : memref<2x128xi32, #tpu.memory_space<vmem>> -> memref<1x128xi32, #tpu.memory_space<vmem>>
      %dma_start3A_38 = tpu.memref_squeeze %dma_start3A_37 : memref<1x128xi32, #tpu.memory_space<vmem>> -> memref<128xi32, #tpu.memory_space<vmem>>
      %dma_start3A_39 = arith.constant 0 : i32
      %dma_start3A_40 = tpu.memref_slice %arg2[%mul3A_2, %dma_start3A_39] : memref<3328x128xi32, #tpu.memory_space<hbm>> -> memref<1x128xi32, #tpu.memory_space<hbm>>
      %dma_start3A_41 = tpu.memref_squeeze %dma_start3A_40 : memref<1x128xi32, #tpu.memory_space<hbm>> -> memref<128xi32, #tpu.memory_space<hbm>>
      tpu.enqueue_dma source(%dma_start3A_41 : memref<128xi32, #tpu.memory_space<hbm>>) target(%dma_start3A_38 : memref<128xi32, #tpu.memory_space<vmem>>) target_semaphore(%run_scoped3A_29 : memref<!tpu.dma_semaphore, #tpu.memory_space<semaphore_mem>>)
      %dma_wait3A_42 = arith.constant 0 : i32
      %dma_wait3A_43 = tpu.memref_slice %arg5[%run_scoped3A, %dma_wait3A_42] : memref<2x128xi32, #tpu.memory_space<vmem>> -> memref<1x128xi32, #tpu.memory_space<vmem>>
      %dma_wait3A_44 = tpu.memref_squeeze %dma_wait3A_43 : memref<1x128xi32, #tpu.memory_space<vmem>> -> memref<128xi32, #tpu.memory_space<vmem>>
      %dma_wait3A_45 = arith.constant 0 : i32
      %dma_wait3A_46 = tpu.memref_slice %arg2[%mul3A_2, %dma_wait3A_45] : memref<3328x128xi32, #tpu.memory_space<hbm>> -> memref<1x128xi32, #tpu.memory_space<hbm>>
      %dma_wait3A_47 = tpu.memref_squeeze %dma_wait3A_46 : memref<1x128xi32, #tpu.memory_space<hbm>> -> memref<128xi32, #tpu.memory_space<hbm>>
      %dma_wait3A_48 = arith.constant 0 : i32
      %dma_wait3A_49 = tpu.memref_slice %arg5[%run_scoped3A, %dma_wait3A_48] : memref<2x128xi32, #tpu.memory_space<vmem>> -> memref<1x128xi32, #tpu.memory_space<vmem>>
      %dma_wait3A_50 = tpu.memref_squeeze %dma_wait3A_49 : memref<1x128xi32, #tpu.memory_space<vmem>> -> memref<128xi32, #tpu.memory_space<vmem>>
      %dma_wait3A_51 = arith.constant 0 : i32
      %dma_wait3A_52 = tpu.memref_slice %arg2[%mul3A_2, %dma_wait3A_51] : memref<3328x128xi32, #tpu.memory_space<hbm>> -> memref<1x128xi32, #tpu.memory_space<hbm>>
      %dma_wait3A_53 = tpu.memref_squeeze %dma_wait3A_52 : memref<1x128xi32, #tpu.memory_space<hbm>> -> memref<128xi32, #tpu.memory_space<hbm>>
      tpu.wait_dma2 semaphore(%run_scoped3A_29 : memref<!tpu.dma_semaphore, #tpu.memory_space<semaphore_mem>>) src(%dma_wait3A_53 : memref<128xi32, #tpu.memory_space<hbm>>) dst(%dma_wait3A_50 : memref<128xi32, #tpu.memory_space<vmem>>)
      tpu.yield
    }) : () -> ()
    %dma_start3A = arith.constant 0 : i32
    %dma_start3A_3 = arith.constant 0 : i32
    %dma_start3A_4 = tpu.memref_slice %arg5[%dma_start3A, %dma_start3A_3] : memref<2x128xi32, #tpu.memory_space<vmem>> -> memref<1x128xi32, #tpu.memory_space<vmem>>
    %dma_start3A_5 = tpu.memref_squeeze %dma_start3A_4 : memref<1x128xi32, #tpu.memory_space<vmem>> -> memref<128xi32, #tpu.memory_space<vmem>>
    %dma_start3A_6 = arith.constant 0 : i32
    %dma_start3A_7 = arith.constant 0 : i32
    %dma_start3A_8 = tpu.memref_slice %arg3[%dma_start3A_6, %dma_start3A_7] : memref<1000000x128xf32, #tpu.memory_space<hbm>> -> memref<1000000x128xf32, #tpu.memory_space<hbm>>
    tpu.enqueue_indirect_dma source(%dma_start3A_8 : memref<1000000x128xf32, #tpu.memory_space<hbm>>) target(%arg6 : memref<128x128xf32, #tpu.memory_space<vmem>>) offsets(%dma_start3A_5 : memref<128xi32, #tpu.memory_space<vmem>>) semaphore(%arg8 : memref<!tpu.dma_semaphore, #tpu.memory_space<semaphore_mem>>)
    %scan3A = arith.constant 0 : i32
    %scan3A_9 = arith.constant 52 : i32
    %scan3A_10 = arith.addi %scan3A, %scan3A_9 : i32
    %scan3A_11 = arith.constant 1 : i32
    scf.for %scan3A_29 = %scan3A to %scan3A_10 step %scan3A_11  : i32 {
      %mul3A_30 = arith.constant 1 : i32
      %mul3A_31 = arith.muli %scan3A_29, %mul3A_30 : i32
      %add3A_32 = arith.constant 0 : i32
      %add3A_33 = arith.addi %add3A_32, %mul3A_31 : i32
      %mul3A_34 = arith.constant 2 : i32
      %mul3A_35 = arith.muli %add3A_33, %mul3A_34 : i32
      %add3A_36 = arith.addi %mul3A_2, %mul3A_35 : i32
      %lt3A = arith.constant 103 : i32
      %lt3A_37 = arith.cmpi slt, %mul3A_35, %lt3A : i32
      %convert_element_type3A = arith.extui %lt3A_37 : i1 to i32
      %cond3A = arith.constant 0 : i32
      %cond3A_38 = arith.cmpi ne, %convert_element_type3A, %cond3A : i32
      scf.if %cond3A_38 {
        %add3A_85 = arith.constant 1 : i32
        %add3A_86 = arith.addi %add3A_36, %add3A_85 : i32
        %dma_start3A_87 = arith.constant 1 : i32
        %dma_start3A_88 = arith.constant 0 : i32
        %dma_start3A_89 = tpu.memref_slice %arg5[%dma_start3A_87, %dma_start3A_88] : memref<2x128xi32, #tpu.memory_space<vmem>> -> memref<1x128xi32, #tpu.memory_space<vmem>>
        %dma_start3A_90 = tpu.memref_squeeze %dma_start3A_89 : memref<1x128xi32, #tpu.memory_space<vmem>> -> memref<128xi32, #tpu.memory_space<vmem>>
        %dma_start3A_91 = arith.constant 0 : i32
        %dma_start3A_92 = tpu.memref_slice %arg2[%add3A_86, %dma_start3A_91] : memref<3328x128xi32, #tpu.memory_space<hbm>> -> memref<1x128xi32, #tpu.memory_space<hbm>>
        %dma_start3A_93 = tpu.memref_squeeze %dma_start3A_92 : memref<1x128xi32, #tpu.memory_space<hbm>> -> memref<128xi32, #tpu.memory_space<hbm>>
        %dma_start3A_94 = arith.constant 0 : i32
        %dma_start3A_95 = tpu.memref_slice %arg5[%dma_start3A_87, %dma_start3A_94] : memref<2x128xi32, #tpu.memory_space<vmem>> -> memref<1x128xi32, #tpu.memory_space<vmem>>
        %dma_start3A_96 = tpu.memref_squeeze %dma_start3A_95 : memref<1x128xi32, #tpu.memory_space<vmem>> -> memref<128xi32, #tpu.memory_space<vmem>>
        %dma_start3A_97 = arith.constant 0 : i32
        %dma_start3A_98 = tpu.memref_slice %arg2[%add3A_86, %dma_start3A_97] : memref<3328x128xi32, #tpu.memory_space<hbm>> -> memref<1x128xi32, #tpu.memory_space<hbm>>
        %dma_start3A_99 = tpu.memref_squeeze %dma_start3A_98 : memref<1x128xi32, #tpu.memory_space<hbm>> -> memref<128xi32, #tpu.memory_space<hbm>>
        tpu.enqueue_dma source(%dma_start3A_99 : memref<128xi32, #tpu.memory_space<hbm>>) target(%dma_start3A_96 : memref<128xi32, #tpu.memory_space<vmem>>) target_semaphore(%arg10 : memref<!tpu.dma_semaphore, #tpu.memory_space<semaphore_mem>>)
      } else {
      }
      %dma_wait3A_39 = arith.constant 0 : i32
      %dma_wait3A_40 = arith.constant 0 : i32
      %dma_wait3A_41 = tpu.memref_slice %arg5[%dma_wait3A_39, %dma_wait3A_40] : memref<2x128xi32, #tpu.memory_space<vmem>> -> memref<1x128xi32, #tpu.memory_space<vmem>>
      %dma_wait3A_42 = tpu.memref_squeeze %dma_wait3A_41 : memref<1x128xi32, #tpu.memory_space<vmem>> -> memref<128xi32, #tpu.memory_space<vmem>>
      %dma_wait3A_43 = arith.constant 0 : i32
      %dma_wait3A_44 = arith.constant 0 : i32
      %dma_wait3A_45 = tpu.memref_slice %arg3[%dma_wait3A_43, %dma_wait3A_44] : memref<1000000x128xf32, #tpu.memory_space<hbm>> -> memref<1000000x128xf32, #tpu.memory_space<hbm>>
      tpu.wait_indirect_dma semaphore(%arg8 : memref<!tpu.dma_semaphore, #tpu.memory_space<semaphore_mem>>) src(%dma_wait3A_45 : memref<1000000x128xf32, #tpu.memory_space<hbm>>) dst(%arg6 : memref<128x128xf32, #tpu.memory_space<vmem>>)
      %mul3A_46 = arith.constant 128 : i32
      %mul3A_47 = arith.muli %add3A_36, %mul3A_46 : i32
      %dma_start3A_48 = arith.constant 0 : i32
      %dma_start3A_49 = tpu.memref_slice %arg4[%mul3A_47, %dma_start3A_48] : memref<425984x128xf32, #tpu.memory_space<hbm>> -> memref<128x128xf32, #tpu.memory_space<hbm>>
      %dma_start3A_50 = arith.constant 0 : i32
      %dma_start3A_51 = tpu.memref_slice %arg4[%mul3A_47, %dma_start3A_50] : memref<425984x128xf32, #tpu.memory_space<hbm>> -> memref<128x128xf32, #tpu.memory_space<hbm>>
      tpu.enqueue_dma source(%arg6 : memref<128x128xf32, #tpu.memory_space<vmem>>) target(%dma_start3A_51 : memref<128x128xf32, #tpu.memory_space<hbm>>) target_semaphore(%arg11 : memref<!tpu.dma_semaphore, #tpu.memory_space<semaphore_mem>>)
      %lt3A_52 = arith.constant 103 : i32
      %lt3A_53 = arith.cmpi slt, %mul3A_35, %lt3A_52 : i32
      %convert_element_type3A_54 = arith.extui %lt3A_53 : i1 to i32
      %cond3A_55 = arith.constant 0 : i32
      %cond3A_56 = arith.cmpi ne, %convert_element_type3A_54, %cond3A_55 : i32
      scf.if %cond3A_56 {
        %add3A_85 = arith.constant 1 : i32
        %add3A_86 = arith.addi %add3A_36, %add3A_85 : i32
        %dma_wait3A_87 = arith.constant 1 : i32
        %dma_wait3A_88 = arith.constant 0 : i32
        %dma_wait3A_89 = tpu.memref_slice %arg5[%dma_wait3A_87, %dma_wait3A_88] : memref<2x128xi32, #tpu.memory_space<vmem>> -> memref<1x128xi32, #tpu.memory_space<vmem>>
        %dma_wait3A_90 = tpu.memref_squeeze %dma_wait3A_89 : memref<1x128xi32, #tpu.memory_space<vmem>> -> memref<128xi32, #tpu.memory_space<vmem>>
        %dma_wait3A_91 = arith.constant 0 : i32
        %dma_wait3A_92 = tpu.memref_slice %arg2[%add3A_86, %dma_wait3A_91] : memref<3328x128xi32, #tpu.memory_space<hbm>> -> memref<1x128xi32, #tpu.memory_space<hbm>>
        %dma_wait3A_93 = tpu.memref_squeeze %dma_wait3A_92 : memref<1x128xi32, #tpu.memory_space<hbm>> -> memref<128xi32, #tpu.memory_space<hbm>>
        %dma_wait3A_94 = arith.constant 0 : i32
        %dma_wait3A_95 = tpu.memref_slice %arg5[%dma_wait3A_87, %dma_wait3A_94] : memref<2x128xi32, #tpu.memory_space<vmem>> -> memref<1x128xi32, #tpu.memory_space<vmem>>
        %dma_wait3A_96 = tpu.memref_squeeze %dma_wait3A_95 : memref<1x128xi32, #tpu.memory_space<vmem>> -> memref<128xi32, #tpu.memory_space<vmem>>
        %dma_wait3A_97 = arith.constant 0 : i32
        %dma_wait3A_98 = tpu.memref_slice %arg2[%add3A_86, %dma_wait3A_97] : memref<3328x128xi32, #tpu.memory_space<hbm>> -> memref<1x128xi32, #tpu.memory_space<hbm>>
        %dma_wait3A_99 = tpu.memref_squeeze %dma_wait3A_98 : memref<1x128xi32, #tpu.memory_space<hbm>> -> memref<128xi32, #tpu.memory_space<hbm>>
        tpu.wait_dma2 semaphore(%arg10 : memref<!tpu.dma_semaphore, #tpu.memory_space<semaphore_mem>>) src(%dma_wait3A_99 : memref<128xi32, #tpu.memory_space<hbm>>) dst(%dma_wait3A_96 : memref<128xi32, #tpu.memory_space<vmem>>)
        %ge3A = arith.constant 1 : i32
        %ge3A_100 = arith.cmpi sge, %mul3A_35, %ge3A : i32
        %convert_element_type3A_101 = arith.extui %ge3A_100 : i1 to i32
        %cond3A_102 = arith.constant 0 : i32
        %cond3A_103 = arith.cmpi ne, %convert_element_type3A_101, %cond3A_102 : i32
        scf.if %cond3A_103 {
          %sub3A_111 = arith.constant 1 : i32
          %sub3A_112 = arith.subi %add3A_36, %sub3A_111 : i32
          %mul3A_113 = arith.constant 128 : i32
          %mul3A_114 = arith.muli %sub3A_112, %mul3A_113 : i32
          %dma_wait3A_115 = arith.constant 0 : i32
          %dma_wait3A_116 = tpu.memref_slice %arg4[%mul3A_114, %dma_wait3A_115] : memref<425984x128xf32, #tpu.memory_space<hbm>> -> memref<128x128xf32, #tpu.memory_space<hbm>>
          %dma_wait3A_117 = arith.constant 0 : i32
          %dma_wait3A_118 = tpu.memref_slice %arg4[%mul3A_114, %dma_wait3A_117] : memref<425984x128xf32, #tpu.memory_space<hbm>> -> memref<128x128xf32, #tpu.memory_space<hbm>>
          tpu.wait_dma2 semaphore(%arg12 : memref<!tpu.dma_semaphore, #tpu.memory_space<semaphore_mem>>) src(%arg7 : memref<128x128xf32, #tpu.memory_space<vmem>>) dst(%dma_wait3A_118 : memref<128x128xf32, #tpu.memory_space<hbm>>)
        } else {
        }
        %dma_start3A_104 = arith.constant 1 : i32
        %dma_start3A_105 = arith.constant 0 : i32
        %dma_start3A_106 = tpu.memref_slice %arg5[%dma_start3A_104, %dma_start3A_105] : memref<2x128xi32, #tpu.memory_space<vmem>> -> memref<1x128xi32, #tpu.memory_space<vmem>>
        %dma_start3A_107 = tpu.memref_squeeze %dma_start3A_106 : memref<1x128xi32, #tpu.memory_space<vmem>> -> memref<128xi32, #tpu.memory_space<vmem>>
        %dma_start3A_108 = arith.constant 0 : i32
        %dma_start3A_109 = arith.constant 0 : i32
        %dma_start3A_110 = tpu.memref_slice %arg3[%dma_start3A_108, %dma_start3A_109] : memref<1000000x128xf32, #tpu.memory_space<hbm>> -> memref<1000000x128xf32, #tpu.memory_space<hbm>>
        tpu.enqueue_indirect_dma source(%dma_start3A_110 : memref<1000000x128xf32, #tpu.memory_space<hbm>>) target(%arg7 : memref<128x128xf32, #tpu.memory_space<vmem>>) offsets(%dma_start3A_107 : memref<128xi32, #tpu.memory_space<vmem>>) semaphore(%arg9 : memref<!tpu.dma_semaphore, #tpu.memory_space<semaphore_mem>>)
      } else {
      }
      %mul3A_57 = arith.constant 2 : i32
      %mul3A_58 = arith.muli %add3A_33, %mul3A_57 : i32
      %add3A_59 = arith.constant 1 : i32
      %add3A_60 = arith.addi %mul3A_58, %add3A_59 : i32
      %add3A_61 = arith.addi %mul3A_2, %add3A_60 : i32
      %lt3A_62 = arith.constant 103 : i32
      %lt3A_63 = arith.cmpi slt, %add3A_60, %lt3A_62 : i32
      %convert_element_type3A_64 = arith.extui %lt3A_63 : i1 to i32
      %cond3A_65 = arith.constant 0 : i32
      %cond3A_66 = arith.cmpi ne, %convert_element_type3A_64, %cond3A_65 : i32
      scf.if %cond3A_66 {
        %add3A_85 = arith.constant 1 : i32
        %add3A_86 = arith.addi %add3A_61, %add3A_85 : i32
        %dma_start3A_87 = arith.constant 0 : i32
        %dma_start3A_88 = arith.constant 0 : i32
        %dma_start3A_89 = tpu.memref_slice %arg5[%dma_start3A_87, %dma_start3A_88] : memref<2x128xi32, #tpu.memory_space<vmem>> -> memref<1x128xi32, #tpu.memory_space<vmem>>
        %dma_start3A_90 = tpu.memref_squeeze %dma_start3A_89 : memref<1x128xi32, #tpu.memory_space<vmem>> -> memref<128xi32, #tpu.memory_space<vmem>>
        %dma_start3A_91 = arith.constant 0 : i32
        %dma_start3A_92 = tpu.memref_slice %arg2[%add3A_86, %dma_start3A_91] : memref<3328x128xi32, #tpu.memory_space<hbm>> -> memref<1x128xi32, #tpu.memory_space<hbm>>
        %dma_start3A_93 = tpu.memref_squeeze %dma_start3A_92 : memref<1x128xi32, #tpu.memory_space<hbm>> -> memref<128xi32, #tpu.memory_space<hbm>>
        %dma_start3A_94 = arith.constant 0 : i32
        %dma_start3A_95 = tpu.memref_slice %arg5[%dma_start3A_87, %dma_start3A_94] : memref<2x128xi32, #tpu.memory_space<vmem>> -> memref<1x128xi32, #tpu.memory_space<vmem>>
        %dma_start3A_96 = tpu.memref_squeeze %dma_start3A_95 : memref<1x128xi32, #tpu.memory_space<vmem>> -> memref<128xi32, #tpu.memory_space<vmem>>
        %dma_start3A_97 = arith.constant 0 : i32
        %dma_start3A_98 = tpu.memref_slice %arg2[%add3A_86, %dma_start3A_97] : memref<3328x128xi32, #tpu.memory_space<hbm>> -> memref<1x128xi32, #tpu.memory_space<hbm>>
        %dma_start3A_99 = tpu.memref_squeeze %dma_start3A_98 : memref<1x128xi32, #tpu.memory_space<hbm>> -> memref<128xi32, #tpu.memory_space<hbm>>
        tpu.enqueue_dma source(%dma_start3A_99 : memref<128xi32, #tpu.memory_space<hbm>>) target(%dma_start3A_96 : memref<128xi32, #tpu.memory_space<vmem>>) target_semaphore(%arg10 : memref<!tpu.dma_semaphore, #tpu.memory_space<semaphore_mem>>)
      } else {
      }
      %dma_wait3A_67 = arith.constant 1 : i32
      %dma_wait3A_68 = arith.constant 0 : i32
      %dma_wait3A_69 = tpu.memref_slice %arg5[%dma_wait3A_67, %dma_wait3A_68] : memref<2x128xi32, #tpu.memory_space<vmem>> -> memref<1x128xi32, #tpu.memory_space<vmem>>
      %dma_wait3A_70 = tpu.memref_squeeze %dma_wait3A_69 : memref<1x128xi32, #tpu.memory_space<vmem>> -> memref<128xi32, #tpu.memory_space<vmem>>
      %dma_wait3A_71 = arith.constant 0 : i32
      %dma_wait3A_72 = arith.constant 0 : i32
      %dma_wait3A_73 = tpu.memref_slice %arg3[%dma_wait3A_71, %dma_wait3A_72] : memref<1000000x128xf32, #tpu.memory_space<hbm>> -> memref<1000000x128xf32, #tpu.memory_space<hbm>>
      tpu.wait_indirect_dma semaphore(%arg9 : memref<!tpu.dma_semaphore, #tpu.memory_space<semaphore_mem>>) src(%dma_wait3A_73 : memref<1000000x128xf32, #tpu.memory_space<hbm>>) dst(%arg7 : memref<128x128xf32, #tpu.memory_space<vmem>>)
      %mul3A_74 = arith.constant 128 : i32
      %mul3A_75 = arith.muli %add3A_61, %mul3A_74 : i32
      %dma_start3A_76 = arith.constant 0 : i32
      %dma_start3A_77 = tpu.memref_slice %arg4[%mul3A_75, %dma_start3A_76] : memref<425984x128xf32, #tpu.memory_space<hbm>> -> memref<128x128xf32, #tpu.memory_space<hbm>>
      %dma_start3A_78 = arith.constant 0 : i32
      %dma_start3A_79 = tpu.memref_slice %arg4[%mul3A_75, %dma_start3A_78] : memref<425984x128xf32, #tpu.memory_space<hbm>> -> memref<128x128xf32, #tpu.memory_space<hbm>>
      tpu.enqueue_dma source(%arg7 : memref<128x128xf32, #tpu.memory_space<vmem>>) target(%dma_start3A_79 : memref<128x128xf32, #tpu.memory_space<hbm>>) target_semaphore(%arg12 : memref<!tpu.dma_semaphore, #tpu.memory_space<semaphore_mem>>)
      %lt3A_80 = arith.constant 103 : i32
      %lt3A_81 = arith.cmpi slt, %add3A_60, %lt3A_80 : i32
      %convert_element_type3A_82 = arith.extui %lt3A_81 : i1 to i32
      %cond3A_83 = arith.constant 0 : i32
      %cond3A_84 = arith.cmpi ne, %convert_element_type3A_82, %cond3A_83 : i32
      scf.if %cond3A_84 {
        %add3A_85 = arith.constant 1 : i32
        %add3A_86 = arith.addi %add3A_61, %add3A_85 : i32
        %dma_wait3A_87 = arith.constant 0 : i32
        %dma_wait3A_88 = arith.constant 0 : i32
        %dma_wait3A_89 = tpu.memref_slice %arg5[%dma_wait3A_87, %dma_wait3A_88] : memref<2x128xi32, #tpu.memory_space<vmem>> -> memref<1x128xi32, #tpu.memory_space<vmem>>
        %dma_wait3A_90 = tpu.memref_squeeze %dma_wait3A_89 : memref<1x128xi32, #tpu.memory_space<vmem>> -> memref<128xi32, #tpu.memory_space<vmem>>
        %dma_wait3A_91 = arith.constant 0 : i32
        %dma_wait3A_92 = tpu.memref_slice %arg2[%add3A_86, %dma_wait3A_91] : memref<3328x128xi32, #tpu.memory_space<hbm>> -> memref<1x128xi32, #tpu.memory_space<hbm>>
        %dma_wait3A_93 = tpu.memref_squeeze %dma_wait3A_92 : memref<1x128xi32, #tpu.memory_space<hbm>> -> memref<128xi32, #tpu.memory_space<hbm>>
        %dma_wait3A_94 = arith.constant 0 : i32
        %dma_wait3A_95 = tpu.memref_slice %arg5[%dma_wait3A_87, %dma_wait3A_94] : memref<2x128xi32, #tpu.memory_space<vmem>> -> memref<1x128xi32, #tpu.memory_space<vmem>>
        %dma_wait3A_96 = tpu.memref_squeeze %dma_wait3A_95 : memref<1x128xi32, #tpu.memory_space<vmem>> -> memref<128xi32, #tpu.memory_space<vmem>>
        %dma_wait3A_97 = arith.constant 0 : i32
        %dma_wait3A_98 = tpu.memref_slice %arg2[%add3A_86, %dma_wait3A_97] : memref<3328x128xi32, #tpu.memory_space<hbm>> -> memref<1x128xi32, #tpu.memory_space<hbm>>
        %dma_wait3A_99 = tpu.memref_squeeze %dma_wait3A_98 : memref<1x128xi32, #tpu.memory_space<hbm>> -> memref<128xi32, #tpu.memory_space<hbm>>
        tpu.wait_dma2 semaphore(%arg10 : memref<!tpu.dma_semaphore, #tpu.memory_space<semaphore_mem>>) src(%dma_wait3A_99 : memref<128xi32, #tpu.memory_space<hbm>>) dst(%dma_wait3A_96 : memref<128xi32, #tpu.memory_space<vmem>>)
        %ge3A = arith.constant 1 : i32
        %ge3A_100 = arith.cmpi sge, %add3A_60, %ge3A : i32
        %convert_element_type3A_101 = arith.extui %ge3A_100 : i1 to i32
        %cond3A_102 = arith.constant 0 : i32
        %cond3A_103 = arith.cmpi ne, %convert_element_type3A_101, %cond3A_102 : i32
        scf.if %cond3A_103 {
          %sub3A_111 = arith.constant 1 : i32
          %sub3A_112 = arith.subi %add3A_61, %sub3A_111 : i32
          %mul3A_113 = arith.constant 128 : i32
          %mul3A_114 = arith.muli %sub3A_112, %mul3A_113 : i32
          %dma_wait3A_115 = arith.constant 0 : i32
          %dma_wait3A_116 = tpu.memref_slice %arg4[%mul3A_114, %dma_wait3A_115] : memref<425984x128xf32, #tpu.memory_space<hbm>> -> memref<128x128xf32, #tpu.memory_space<hbm>>
          %dma_wait3A_117 = arith.constant 0 : i32
          %dma_wait3A_118 = tpu.memref_slice %arg4[%mul3A_114, %dma_wait3A_117] : memref<425984x128xf32, #tpu.memory_space<hbm>> -> memref<128x128xf32, #tpu.memory_space<hbm>>
          tpu.wait_dma2 semaphore(%arg11 : memref<!tpu.dma_semaphore, #tpu.memory_space<semaphore_mem>>) src(%arg6 : memref<128x128xf32, #tpu.memory_space<vmem>>) dst(%dma_wait3A_118 : memref<128x128xf32, #tpu.memory_space<hbm>>)
        } else {
        }
        %dma_start3A_104 = arith.constant 0 : i32
        %dma_start3A_105 = arith.constant 0 : i32
        %dma_start3A_106 = tpu.memref_slice %arg5[%dma_start3A_104, %dma_start3A_105] : memref<2x128xi32, #tpu.memory_space<vmem>> -> memref<1x128xi32, #tpu.memory_space<vmem>>
        %dma_start3A_107 = tpu.memref_squeeze %dma_start3A_106 : memref<1x128xi32, #tpu.memory_space<vmem>> -> memref<128xi32, #tpu.memory_space<vmem>>
        %dma_start3A_108 = arith.constant 0 : i32
        %dma_start3A_109 = arith.constant 0 : i32
        %dma_start3A_110 = tpu.memref_slice %arg3[%dma_start3A_108, %dma_start3A_109] : memref<1000000x128xf32, #tpu.memory_space<hbm>> -> memref<1000000x128xf32, #tpu.memory_space<hbm>>
        tpu.enqueue_indirect_dma source(%dma_start3A_110 : memref<1000000x128xf32, #tpu.memory_space<hbm>>) target(%arg6 : memref<128x128xf32, #tpu.memory_space<vmem>>) offsets(%dma_start3A_107 : memref<128xi32, #tpu.memory_space<vmem>>) semaphore(%arg8 : memref<!tpu.dma_semaphore, #tpu.memory_space<semaphore_mem>>)
      } else {
      }
    }
    %scan3A_12 = arith.constant 52 : i32
    %add3A_13 = arith.constant 104 : i32
    %add3A_14 = arith.addi %mul3A_2, %add3A_13 : i32
    %sub3A = arith.constant 1 : i32
    %sub3A_15 = arith.subi %add3A_14, %sub3A : i32
    %sub3A_16 = arith.constant 1 : i32
    %sub3A_17 = arith.subi %sub3A_15, %sub3A_16 : i32
    %mul3A_18 = arith.constant 128 : i32
    %mul3A_19 = arith.muli %sub3A_17, %mul3A_18 : i32
    %dma_wait3A = arith.constant 0 : i32
    %dma_wait3A_20 = tpu.memref_slice %arg4[%mul3A_19, %dma_wait3A] : memref<425984x128xf32, #tpu.memory_space<hbm>> -> memref<128x128xf32, #tpu.memory_space<hbm>>
    %dma_wait3A_21 = arith.constant 0 : i32
    %dma_wait3A_22 = tpu.memref_slice %arg4[%mul3A_19, %dma_wait3A_21] : memref<425984x128xf32, #tpu.memory_space<hbm>> -> memref<128x128xf32, #tpu.memory_space<hbm>>
    tpu.wait_dma2 semaphore(%arg11 : memref<!tpu.dma_semaphore, #tpu.memory_space<semaphore_mem>>) src(%arg6 : memref<128x128xf32, #tpu.memory_space<vmem>>) dst(%dma_wait3A_22 : memref<128x128xf32, #tpu.memory_space<hbm>>)
    %mul3A_23 = arith.constant 128 : i32
    %mul3A_24 = arith.muli %sub3A_15, %mul3A_23 : i32
    %dma_wait3A_25 = arith.constant 0 : i32
    %dma_wait3A_26 = tpu.memref_slice %arg4[%mul3A_24, %dma_wait3A_25] : memref<425984x128xf32, #tpu.memory_space<hbm>> -> memref<128x128xf32, #tpu.memory_space<hbm>>
    %dma_wait3A_27 = arith.constant 0 : i32
    %dma_wait3A_28 = tpu.memref_slice %arg4[%mul3A_24, %dma_wait3A_27] : memref<425984x128xf32, #tpu.memory_space<hbm>> -> memref<128x128xf32, #tpu.memory_space<hbm>>
    tpu.wait_dma2 semaphore(%arg12 : memref<!tpu.dma_semaphore, #tpu.memory_space<semaphore_mem>>) src(%arg7 : memref<128x128xf32, #tpu.memory_space<vmem>>) dst(%dma_wait3A_28 : memref<128x128xf32, #tpu.memory_space<hbm>>)
    return
  }
}

</mosaic_0001>

<sc_bundles>
// kernel: kernel.3.cloned.1.call-start
scs
__scs_entry_jumppad:
0x0: {  	(pc) =	sbr.rel $0x88, $3  }
0x1: {  	(tag) =	ssettag $0x0;
	lr =	simm.s32 $0x1  }
0x2: {  	[smem:$0x3F9C] =	sst lr;
	_ =	strace $0xD0000000  }
0x3: {  	_ = 	snop  }
0x4: {  	_ = 	snop  }
0x5: {  	_ = 	snop  }
0x6: {  	_ = 	snop  }
0x7: {  	_ = 	snop  }
__scs_overlays_trampoline_lowered:
0x8: {  	[smem:$0x3FAB] =	sst s0  }
0x9: {  	[smem:$0x3FAC] =	sst s1  }
0xa: {  	[smem:$0x3FAD] =	sst s2  }
0xb: {  	[smem:$0x3FAE] =	sst s3  }
0xc: {  	[smem:$0x3FAF] =	sst s4  }
0xd: {  	[smem:$0x3FB0] =	sst s5  }
0xe: {  	[smem:$0x3FB1] =	sst s6  }
0xf: {  	[smem:$0x3FB2] =	sst s7  }
0x10: {  	[smem:$0x3FB3] =	sst s8  }
0x11: {  	[smem:$0x3FB4] =	sst s9;
	s0 =	simm.s32 @!p0 $0x0  }
0x12: {  	s1 =	sld [smem:$0x3F9A];
	s0 =	simm.s32 @p0 $0x1  }
0x13: {  	[smem:$0x3FB5] =	sst s0;
	s0 =	simm.s32 @!p1 $0x0  }
0x14: {  	s2 =	sld [smem:$0x3F99];
	s0 =	simm.s32 @p1 $0x1  }
0x15: {  	[smem:$0x3FB6] =	sst s0;
	s0 =	simm.s32 @!p2 $0x0  }
0x16: {  	s3 =	sld [smem:$0x3FDB];
	s0 =	simm.s32 @p2 $0x1  }
0x17: {  	s4 =	simm.s32 $0x1BF5;
	[smem:$0x3FB8] =	sst s0  }
0x18: {  	s0 =	sld [smem:$0x3F9B];
	_ =	swait.ge [sflag:s4], $0x0  }
0x19: {  	s7 =	sld [smem:$0x3F9C]  }
0x1a: {  	s8 =	sadd.s32 $0xFFFFE003, lr  }
0x1b: {  	s9 =	sadd.s32 $0xFFFFFEF7, lr;
	s5 =	simm.s32 $0xFFFFFFFF;
	p2 =	slt.u32 s8, $0xFFFFF086  }
0x1c: {  	p1 =	slt.u32 s9, $0xF7A;
	s5 =	simm.s32 @!p2 $0x0  }
0x1d: {  	s5 =	simm.s32 @p1 $0x1;
	p0 =	seq.s32 s7, s2  }
0x1e: {  	s7 =	smul.u32 @!p0 $0xF7A, s2;
	p2 =	seq.s32 @!p0 s5, $0x0  }
0x1f: {  	s9 =	smul.u32 $0xF7A, s1;
	s8 =	simm.s32 @!p0 $0x1BF5;
	p2 =	por !p2, p0  }
0x20: {  	[sflag:s8] =	ssyncset.s32 @!p0 $0xFFFFF086;
	s6 =	sadd.s32 @!p0 s3, s7;
	s7 =	simm.s32 @!p0 $0x108  }
0x21: {  	s3 =	sadd.s32 s3, s9;
	s6 =	sadd.s32 @!p0 $0x88, s6;
	s7 =	simm.s32 @p2 $0x1082  }
0x22: {  	[simem:s7], [sflag:s8] =	dma.local @!p0 [hbm:s6], $0xF7A  }
0x23: {  	s9 =	sor.u32 $0xD0000000, s2;
	s6 =	simm.s32 $0x108;
	_ =	swait.ge @!p0 [sflag:s8], $0x0  }
0x24: {  	s3 =	sadd.s32 $0x88, s3;
	s6 =	simm.s32 @!p1 $0x1082;
	[sflag:s4] =	ssyncset.s32 $0xFFFFF086  }
0x25: {  	[simem:s6], [sflag:s4] =	dma.local [hbm:s3], $0xF7A  }
0x26: {  	[smem:$0x3F9C] =	sst s1;
	(tag) =	ssettag s2;
	_ =	strace s9  }
0x27: {  	s1 =	sld [smem:$0x3FAC]  }
0x28: {  	s2 =	sld [smem:$0x3FAD]  }
0x29: {  	s4 =	sld [smem:$0x3FAF]  }
0x2a: {  	p0 =	seq.s32 s5, $0x0;
	s5 =	sld [smem:$0x3FB0]  }
0x2b: {  	s6 =	sld [smem:$0x3FB1]  }
0x2c: {  	s7 =	sld [smem:$0x3FB2]  }
0x2d: {  	s3 =	simm.s32 $0x108;
	s8 =	sld [smem:$0x3FB3]  }
0x2e: {  	s3 =	simm.s32 @!p0 $0x1082;
	s9 =	sld [smem:$0x3FB4]  }
0x2f: {  	lr =	sadd.s32 s0, s3;
	s0 =	sld [smem:$0x3FAB]  }
0x30: {  	s3 =	sld [smem:$0x3FAE]  }
0x31: {  	[smem:$0x3FB7] =	sst s10  }
0x32: {  	s10 =	sld [smem:$0x3FB5];
	_ =	sdelay $0x3  }
0x33: {  	p0 =	seq.s32 s10, $0x1;
	s10 =	sld [smem:$0x3FB7];
	_ =	sdelay $0x3  }
0x34: {  	[smem:$0x3FB7] =	sst s10  }
0x35: {  	s10 =	sld [smem:$0x3FB6];
	_ =	sdelay $0x3  }
0x36: {  	p1 =	seq.s32 s10, $0x1;
	s10 =	sld [smem:$0x3FB7];
	_ =	sdelay $0x3  }
0x37: {  	[smem:$0x3FB7] =	sst s10  }
0x38: {  	s10 =	sld [smem:$0x3FB8]  }
0x39: {  	_ = 	snop;
	(pc) =	sbr.ind lr, $3  }
0x3a: {  	_ = 	snop  }
0x3b: {  	_ = 	snop  }
0x3c: {  	p2 =	seq.s32 s10, $0x1;
	s10 =	sld [smem:$0x3FB7]  }
0x3d: {  	_ =	shalt  }
0x3e: {  	_ =	shalt  }
0x3f: {  	_ =	shalt  }
0x40: {  	_ =	shalt  }
0x41: {  	_ =	shalt  }
0x42: {  	_ =	shalt  }
0x43: {  	_ =	shalt  }
0x44: {  	_ =	shalt  }
0x45: {  	_ =	shalt  }
0x46: {  	_ =	shalt  }
0x47: {  	_ =	shalt  }
0x48: {  	_ =	shalt  }
0x49: {  	_ =	shalt  }
0x4a: {  	_ =	shalt  }
0x4b: {  	_ =	shalt  }
0x4c: {  	_ =	shalt  }
0x4d: {  	_ =	shalt  }
0x4e: {  	_ =	shalt  }
0x4f: {  	_ =	shalt  }
0x50: {  	_ =	shalt  }
0x51: {  	_ =	shalt  }
0x52: {  	_ =	shalt  }
0x53: {  	_ =	shalt  }
0x54: {  	_ =	shalt  }
0x55: {  	_ =	shalt  }
0x56: {  	_ =	shalt  }
0x57: {  	_ =	shalt  }
0x58: {  	_ =	shalt  }
0x59: {  	_ =	shalt  }
0x5a: {  	_ =	shalt  }
0x5b: {  	_ =	shalt  }
0x5c: {  	_ =	shalt  }
0x5d: {  	_ =	shalt  }
0x5e: {  	_ =	shalt  }
0x5f: {  	_ =	shalt  }
0x60: {  	_ =	shalt  }
0x61: {  	_ =	shalt  }
0x62: {  	_ =	shalt  }
0x63: {  	_ =	shalt  }
0x64: {  	_ =	shalt  }
0x65: {  	_ =	shalt  }
0x66: {  	_ =	shalt  }
0x67: {  	_ =	shalt  }
0x68: {  	_ =	shalt  }
0x69: {  	_ =	shalt  }
0x6a: {  	_ =	shalt  }
0x6b: {  	_ =	shalt  }
0x6c: {  	_ =	shalt  }
0x6d: {  	_ =	shalt  }
0x6e: {  	_ =	shalt  }
0x6f: {  	_ =	shalt  }
0x70: {  	_ =	shalt  }
0x71: {  	_ =	shalt  }
0x72: {  	_ =	shalt  }
0x73: {  	_ =	shalt  }
0x74: {  	_ =	shalt  }
0x75: {  	_ =	shalt  }
0x76: {  	_ =	shalt  }
0x77: {  	_ =	shalt  }
0x78: {  	_ =	shalt  }
0x79: {  	_ =	shalt  }
0x7a: {  	_ =	shalt  }
0x7b: {  	_ =	shalt  }
0x7c: {  	_ =	shalt  }
0x7d: {  	_ =	shalt  }
0x7e: {  	_ =	shalt  }
0x7f: {  	_ =	shalt  }
0x80: {  	_ =	shalt  }
0x81: {  	_ =	shalt  }
0x82: {  	_ =	shalt  }
0x83: {  	_ =	shalt  }
0x84: {  	_ =	shalt  }
0x85: {  	_ =	shalt  }
0x86: {  	_ =	shalt  }
0x87: {  	_ =	shalt  }
.Lfunc_end0:
.L_simem_size_0:
called_computation.1_lowered:
.L_overlay_start_0:
0x88: {  	s2 =	sld [smem:$0x3FD9]  }
0x89: {  	s3 =	sld [smem:$0x3FFE];
	_ =	sdelay $0x1  }
0x8a: {  	s1 =	srdreg.scid  }
0x8b: {  	s0 =	sand.u32 $0x1, s1  }
0x8c: {  	s17 =	sshll.u32 s0, $0xA;
	s2 =	sadd.s32 s3, s2  }
0x8d: {  	s2 =	sadd.s32 s2, s17  }
0x8e: {  	[smem:$0x3FC3] =	sst s2  }
0x8f: {  	_ = 	snop  }
0x90: {  	s2 =	sld [smem:$0x3FD0];
	(tm) =	ssettm $0x1  }
0x91: {  	s18 =	sld [smem:$0x3FFB];
	_ =	sdelay $0x3  }
0x92: {  	_ =	strace s18  }
0x93: {  	s3 =	sld [smem:$0x3FFC];
	_ =	sdelay $0x3  }
0x94: {  	_ =	strace s3  }
0x95: {  	s3 =	sld [smem:$0x3FFD];
	_ =	sdelay $0x3  }
0x96: {  	_ =	strace s3  }
0x97: {  	_ =	strace $0x8FFFFFFF  }
0x98: {  	s19 =	sld [smem:$0x3FDB];
	_ =	sdelay $0x1  }
0x99: {  	s4 =	simm.s32 $_scs_section_size  }
0x9a: {  	s5 =	simm.s32 $_size__tile_overlayer_lowered;
	s6 =	simm.s32 $_tile_overlayer_lowered  }
0x9b: {  	s22 =	simm.s32 $0x1BFF;
	s21 =	sshll.u32 s6, $0x1;
	s3 =	sadd.s32 s4, s19  }
0x9c: {  	s7 =	simm.s32 $0x0;
	s20 =	sshll.u32 s5, $0x1;
	s5 =	sadd.s32 s21, s3  }
0x9d: {  	[timem:s7], [sflag:s22] =	dma.local [hbm:s5], s20  }
0x9e: {  	_ =	swait.ge [sflag:s22], s20  }
0x9f: {  	s4 =	ssub.s32 $0x0, s20;
	[sflag:s22] =	ssyncset.done $0x0  }
0xa0: {  	[sflag:s22] =	ssyncadd.s32 s4;
	_ =	sdelay $0x1  }
0xa1: {  	s23 =	simm.s32 $0x1B8B  }
0xa2: {  	_ =	swait.ge [sflag:s23], $0x1  }
0xa3: {  	[sflag:s23] =	ssyncset.done $0x0  }
0xa4: {  	s25 =	simm.s32 $0x1B8E;
	s24 =	sld [smem:$0x3FFE];
	[sflag:s23] =	ssyncadd.s32 $0xFFFFFFFF  }
0xa5: {  	s26 =	simm.s32 $execute0_lowered;
	[smem:$0x3FD2] =	sst s25  }
0xa6: {  	s5 =	sshll.u32 s26, $0x1;
	_ =	strace $0x80000046;
	[dreg:$0x1] =	wrdreg $0xFFFFFFFF  }
0xa7: {  	s28 =	simm.s32 $_size_execute0_lowered;
	s3 =	sadd.s32 s3, s5;
	[dreg:$0x0] =	wrdreg $0x0  }
0xa8: {  	s5 =	sshll.u32 s28, $0x1;
	[dreg:$0x2] =	wrdreg s3  }
0xa9: {  	[dreg:$0x3] =	wrdreg s5  }
0xaa: {  	[dreg:$0x4] =	wrdreg $0xC0  }
0xab: {  	_ =	task [dreg:s7], $0x5FFFF  }
0xac: {  	[dreg:$0x1] =	wrdreg $0xFFFFFFFF  }
0xad: {  	[dreg:$0x0] =	wrdreg $0x60  }
0xae: {  	[dreg:$0x2] =	wrdreg s24  }
0xaf: {  	[dreg:$0x3] =	wrdreg s2  }
0xb0: {  	[dreg:$0x4] =	wrdreg $0x9  }
0xb1: {  	_ =	task.clear_ibuf [dreg:s7], $0x5FFFF;
	_ =	strace $0x90000046  }
0xb2: {  	s29 =	simm.s32 $0x9;
	_ =	strace $0x80000048  }
0xb3: {  	_ =	swait.ge [sflag:s29], $0x1  }
0xb4: {  	[sflag:s29] =	ssyncadd.s32 $0xFFFFFFFF  }
0xb5: {  	_ =	strace $0x90000048  }
0xb6: {  	_ =	sfence  }
0xb7: {  	s30 =	sld [smem:$0x0];
	_ =	sdelay $0x2  }
0xb8: {  	s31 =	sshll.u32 s1, $0xD;
	s1 =	sshrl.u32 s1, $0x2  }
0xb9: {  	s3 =	sand.u32 $0x4000, s31;
	s1 =	sadd.s32 s1, s30  }
0xba: {  	s0 =	sor.u32 s3, s0;
	s1 =	sshll.u32 s1, $0x11  }
0xbb: {  	s0 =	sor.u32 s1, s0  }
0xbc: {  	s0 =	sadd.s32 $0x8F2B, s0  }
0xbd: {  	[sflag:s0] =	ssyncadd.remote.s32 $0x1  }
0xbe: {  	_ =	sfence.sel $0xFFFF  }
0xbf: {  	[dreg:$0x0] =	wrdreg $0xFFFFFFFF;
	(pc) =	sbr.abs _section_cstart, $3  }
0xc0: {  	[dreg:$0x1] =	wrdreg $0xFFFFFFFF  }
0xc1: {  	_ =	task.clear_ibuf [dreg:s7], $0x2FFFF;
	_ =	strace $0x9FFFFFFF  }
0xc2: {  	(tm) =	ssettm $0x7FFFFFFF  }
0xc3: {  	_ =	shalt  }
tec
execute0_lowered:
.L_overlay_start_1:
0x0: {  	(tag) =	ssettag $0x1  }
0x1: {  	s1 =	srdreg.scid  }
0x2: {  	s0 =	stileid.u32;
	s5 =	rddreg [dreg:$0x0]  }
0x3: {  	s2 =	rddreg [dreg:$0x1];
	s3 =	simm.s32 $0x0;
	s6 =	smul.u32 $0xD0, s0  }
0x4: {  	s16 =	simm.s32 $0x1;
	s17 =	simm.s32 $0x3;
	s13 =	smul.u32 $0x68000, s0  }
0x5: {  	s18 =	simm.s32 $0x4100;
	s9 =	sand.u32 $0x1, s1;
	s14 =	smul.u32 $0xD00, s0  }
0x6: {  	s19 =	simm.s32 $0x2;
	s20 =	simm.s32 $0x4;
	s11 =	smul.u32 $0x68, s9  }
0x7: {  	s21 =	simm.s32 $0x5;
	s28 =	sshll.u32 s0, $0x1;
	s29 =	smul.u32 $0x34000, s9  }
0x8: {  	s1 =	rddreg [dreg:$0x2];
	s4 =	sor.u32 s9, s28;
	s15 =	smul.u32 $0x680, s9  }
0x9: {  	s22 =	simm.s32 $0x0;
	[smem:$0x7FF] =	sst s3;
	s8 =	smul.u32 $0x68, s4  }
0xa: {  	_ =	strace $0x80000047;
	s10 =	ssub.s32 $0x2, s9;
	s7 =	smul.u32 $0x680, s4  }
0xb: {  	s4 =	sadd.s32 $0x3D09A00, s5;
	s5 =	sadd.s32 $0x3D16A00, s5;
	s12 =	sshrl.u32 s10, $0x1  }
.Ltmp0:
0xc: {  	s31 =	sadd.s32 s13, s2;
	s6 =	sadd.s32 s11, s6;
	(pc) =	sbr.rel .LBB2_1-.Ltmp0, $4  }
0xd: {  	s13 =	simm.s32 $0x6;
	s10 =	ssub.s32 s10, s12;
	s30 =	sshll.u32 s6, $0xB  }
0xe: {  	s11 =	sadd.s32 s29, s31;
	s7 =	sadd.s32 s4, s7;
	s12 =	sadd.s32 s30, s2  }
0xf: {  	s8 =	sor.u32 $0x1, s8;
	s9 =	smax.u32 s10, $0x1;
	s10 =	sadd.s32 $0x800, s12  }
0x10: {  	s12 =	sadd.s32 s15, s14;
	s14 =	simm.s32 $0x80;
	s15 =	simm.s32 $0x100  }
.LBB2_9:
0x11: {  	s22 =	sadd.s32 $0x1, s22  }
0x12: {  	_ =	swait.ge [sflag:s20], $0x4000;
	p0 =	sne.s32 s22, s9  }
.Ltmp1:
0x13: {  	[sflag:s20] =	ssyncset.done $0x0;
	(pc) =	sbr.rel @!p0 .LBB2_10-.Ltmp1, $4  }
0x14: {  	[sflag:s20] =	ssyncadd.s32 $0xFFFFC000  }
0x15: {  	_ =	swait.ge [sflag:s21], $0x4000  }
0x16: {  	[sflag:s21] =	ssyncset.done $0x0  }
0x17: {  	[sflag:s21] =	ssyncadd.s32 $0xFFFFC000  }
.LBB2_1:
0x18: {  	[tilespmem:s3], [sflag:$0x6] =	stream.linear.gather [hbm4b:s7+s3], $0x80, $0x38;
	[tilespmem:$0x8100] =	vst v63  }
.Ltmp2:
0x19: {  	_ = 	snop;
	(pc) =	sbr.rel .LBB2_2-.Ltmp2, $4  }
0x1a: {  	_ =	swait.ge [sflag:s13], $0x80  }
0x1b: {  	s23 =	smov.u32 s11;
	s24 =	simm.s32 $0x1;
	[sflag:s13] =	ssyncset.done $0x0  }
0x1c: {  	s25 =	smov.u32 s10;
	s26 =	simm.s32 $0x0;
	[sflag:s13] =	ssyncadd.s32 $0xFFFFFF80  }
0x1d: {  	[tilespmem:s15], [sflag:$0x1] =	stream.indirect.gather [hbm4b:s5+s14], $0x80, s3, s14, $0xb8;
	[tilespmem:$0x8100] =	vst v63  }
.LBB2_7:
0x1e: {  	_ =	swait.ge [sflag:s19], $0x4000  }
0x1f: {  	[sflag:s19] =	ssyncset.done $0x0  }
0x20: {  	[sflag:s19] =	ssyncadd.s32 $0xFFFFC000  }
0x21: {  	[hbm4b:s25+s3] =	stream.linear.scatter [tilespmem:s18], [sflag:$0x5], $0x4000, $0x38;
	[tilespmem:$0x8100] =	vst v63  }
.LBB2_8:
0x22: {  	s26 =	sadd.s32 $0x20, s26  }
0x23: {  	p0 =	sne.s32 s26, $0x680  }
.Ltmp3:
0x24: {  	_ = 	snop;
	(pc) =	sbr.rel @!p0 .LBB2_9-.Ltmp3, $2  }
0x25: {  	_ =	sdelay $0x2  }
0x26: {  	s25 =	sadd.s32 $0x1000, s25;
	s24 =	sadd.s32 $0x2, s24;
	s23 =	sadd.s32 $0x1000, s23  }
.LBB2_2:
0x27: {  	s28 =	sadd.s32 s26, s12;
	s29 =	sand.u32 $0x60, s26  }
0x28: {  	s28 =	sand.u32 $0xFFFFF80, s28;
	s29 =	sadd.s32 s29, s4  }
0x29: {  	s28 =	sadd.s32 s28, s29  }
0x2a: {  	s28 =	sadd.s32 $0x10, s28  }
0x2b: {  	[tilespmem:s14], [sflag:$0x3] =	stream.linear.gather [hbm4b:s28+s3], $0x80, $0x38;
	[tilespmem:$0x8100] =	vst v63  }
0x2c: {  	_ =	swait.ge [sflag:s16], $0x4000  }
0x2d: {  	p0 =	sne.s32 s26, $0x0;
	[sflag:s16] =	ssyncset.done $0x0  }
.Ltmp4:
0x2e: {  	[sflag:s16] =	ssyncadd.s32 $0xFFFFC000;
	(pc) =	sbr.rel @!p0 .LBB2_3-.Ltmp4, $4  }
0x2f: {  	[hbm4b:s23+s3] =	stream.linear.scatter [tilespmem:s15], [sflag:$0x4], $0x4000, $0x38;
	[tilespmem:$0x8100] =	vst v63  }
0x30: {  	_ =	swait.ge [sflag:s17], $0x80  }
0x31: {  	[sflag:s17] =	ssyncset.done $0x0  }
0x32: {  	[sflag:s17] =	ssyncadd.s32 $0xFFFFFF80  }
0x33: {  	p0 =	sgt.u32 s24, $0x66  }
.Ltmp5:
0x34: {  	_ = 	snop;
	(pc) =	sbr.rel @p0 .LBB2_7-.Ltmp5, $4  }
0x35: {  	_ =	swait.ge [sflag:s21], $0x4000  }
0x36: {  	[sflag:s21] =	ssyncset.done $0x0  }
0x37: {  	[sflag:s21] =	ssyncadd.s32 $0xFFFFC000  }
0x38: {  	[tilespmem:s18], [sflag:$0x2] =	stream.indirect.gather [hbm4b:s5+s14], $0x80, s14, s14, $0xb8;
	[tilespmem:$0x8100] =	vst v63  }
.Ltmp6:
0x39: {  	(pc) =	sbr.rel .LBB2_6-.Ltmp6, $2  }
0x3a: {  	_ =	sdelay $0x2  }
0x3b: {  	s28 =	sadd.s32 s24, s6  }
.LBB2_3:
0x3c: {  	[tilespmem:s18], [sflag:$0x2] =	stream.indirect.gather [hbm4b:s5+s14], $0x80, s14, s14, $0xb8;
	[tilespmem:$0x8100] =	vst v63  }
0x3d: {  	s28 =	smov.u32 s8  }
.LBB2_6:
0x3e: {  	s29 =	sshll.u32 s28, $0x4  }
0x3f: {  	s29 =	sadd.s32 $0x10, s29  }
0x40: {  	s29 =	sand.u32 $0xFFFFFE0, s29  }
0x41: {  	s29 =	sadd.s32 s4, s29  }
0x42: {  	[tilespmem:s3], [sflag:$0x3] =	stream.linear.gather [hbm4b:s29+s3], $0x80, $0x38;
	[tilespmem:$0x8100] =	vst v63  }
0x43: {  	s31 =	sshll.u32 s28, $0xB;
	_ =	swait.ge [sflag:s19], $0x4000  }
0x44: {  	s28 =	sand.u32 $0x1FFFF800, s31;
	[sflag:s19] =	ssyncset.done $0x0  }
0x45: {  	s28 =	sadd.s32 s2, s28;
	[sflag:s19] =	ssyncadd.s32 $0xFFFFC000  }
0x46: {  	[hbm4b:s28+s3] =	stream.linear.scatter [tilespmem:s18], [sflag:$0x5], $0x4000, $0x38;
	[tilespmem:$0x8100] =	vst v63  }
0x47: {  	_ =	swait.ge [sflag:s17], $0x80  }
0x48: {  	[sflag:s17] =	ssyncset.done $0x0  }
.Ltmp7:
0x49: {  	[sflag:s17] =	ssyncadd.s32 $0xFFFFFF80;
	(pc) =	sbr.rel .LBB2_8-.Ltmp7, $4  }
0x4a: {  	_ =	swait.ge [sflag:s20], $0x4000  }
0x4b: {  	[sflag:s20] =	ssyncset.done $0x0  }
0x4c: {  	[sflag:s20] =	ssyncadd.s32 $0xFFFFC000  }
0x4d: {  	[tilespmem:s15], [sflag:$0x1] =	stream.indirect.gather [hbm4b:s5+s14], $0x80, s3, s14, $0xb8;
	[tilespmem:$0x8100] =	vst v63  }
.LBB2_10:
0x4e: {  	_ =	sfence.sel $0x180000  }
0x4f: {  	[bflag:$0x0] =	sbarrier.arrive $0xFFFF  }
0x50: {  	p0 =	sne.s32 s0, $0x0;
	_ =	strace $0x90000047  }
0x51: {  	s0 =	sadd.s32 @!p0 $0x100000, s1;
	[bflag:$0x2] =	sbarrier.arrive $0xFFFF  }
0x52: {  	[sflag:s0] =	ssyncadd.tile.s32 @!p0 $0x1;
	_ =	shalt  }
.Lfunc_end2:
_tile_overlayer_lowered:
.L_overlay_start_2:
0x53: {  	(tag) =	ssettag $0x2  }
0x54: {  	s0 =	rddreg [dreg:$0x0];
	s2 =	stileid.u32  }
0x55: {  	s1 =	rddreg [dreg:$0x1];
	p0 =	sne.s32 s2, $0x0  }
0x56: {  	s3 =	rddreg [dreg:$0x2];
	[bflag:$0x3] =	sbarrier.arrive $0xFFFF;
	s2 =	simm.s32 @!p0 $0x1C06  }
0x57: {  	[timem:s3], [sflag:s2] =	dma.local @!p0 [hbm:s0], s1  }
0x58: {  	s0 =	simm.s32 @!p0 $0x6  }
0x59: {  	_ =	swait.ge @!p0 [sflag:s0], s1  }
0x5a: {  	s1 =	ssub.s32 @!p0 $0x0, s1;
	[sflag:s0] =	ssyncset.done @!p0 $0x0  }
0x5b: {  	[sflag:s0] =	ssyncadd.s32 @!p0 s1  }
0x5c: {  	[bflag:$0x3] =	sbarrier.arrive $0xFFFF  }
0x5d: {  	_ =	shalt  }

// kernel: sparse-core-data-format-call.cloned.1.call-start
scs
called_computation_lowered:
.L_overlay_start_0:
0x0: {  	s2 =	sld [smem:$0x3FD9]  }
0x1: {  	s3 =	sld [smem:$0x3FFE];
	_ =	sdelay $0x1  }
0x2: {  	s1 =	srdreg.scid  }
0x3: {  	s0 =	sand.u32 $0x1, s1  }
0x4: {  	s18 =	sshll.u32 s0, $0xA;
	s2 =	sadd.s32 s3, s2  }
0x5: {  	s2 =	sadd.s32 s2, s18  }
0x6: {  	[smem:$0x3FC3] =	sst s2  }
0x7: {  	_ = 	snop  }
0x8: {  	s2 =	sld [smem:$0x3FD0];
	(tm) =	ssettm $0x1  }
0x9: {  	s19 =	sld [smem:$0x3FFB];
	_ =	sdelay $0x3  }
0xa: {  	_ =	strace s19  }
0xb: {  	s3 =	sld [smem:$0x3FFC];
	_ =	sdelay $0x3  }
0xc: {  	_ =	strace s3  }
0xd: {  	s3 =	sld [smem:$0x3FFD];
	_ =	sdelay $0x3  }
0xe: {  	_ =	strace s3  }
0xf: {  	_ =	strace $0x8FFFFFFF  }
0x10: {  	s20 =	sld [smem:$0x3FDB];
	_ =	sdelay $0x1  }
0x11: {  	s4 =	simm.s32 $_scs_section_size  }
0x12: {  	s5 =	simm.s32 $_size__tile_overlayer_lowered;
	s6 =	simm.s32 $_tile_overlayer_lowered  }
0x13: {  	s23 =	simm.s32 $0x1BFF;
	s22 =	sshll.u32 s6, $0x1;
	s3 =	sadd.s32 s4, s20  }
0x14: {  	s7 =	simm.s32 $0x0;
	s21 =	sshll.u32 s5, $0x1;
	s5 =	sadd.s32 s22, s3  }
0x15: {  	[timem:s7], [sflag:s23] =	dma.local [hbm:s5], s21  }
0x16: {  	_ =	swait.ge [sflag:s23], s21  }
0x17: {  	s4 =	ssub.s32 $0x0, s21;
	[sflag:s23] =	ssyncset.done $0x0  }
0x18: {  	[sflag:s23] =	ssyncadd.s32 s4;
	_ =	sdelay $0x1  }
0x19: {  	s24 =	simm.s32 $0x1B8B  }
0x1a: {  	_ =	swait.ge [sflag:s24], $0x1  }
0x1b: {  	[sflag:s24] =	ssyncset.done $0x0  }
0x1c: {  	s26 =	simm.s32 $0x1B8E;
	s25 =	sld [smem:$0x3FFE];
	[sflag:s24] =	ssyncadd.s32 $0xFFFFFFFF  }
0x1d: {  	s27 =	simm.s32 $execute0_lowered;
	[smem:$0x3FD2] =	sst s26  }
0x1e: {  	s5 =	sshll.u32 s27, $0x1;
	_ =	strace $0x80000049;
	[dreg:$0x1] =	wrdreg $0xFFFFFFFF  }
0x1f: {  	s28 =	simm.s32 $_size_execute0_lowered;
	s3 =	sadd.s32 s3, s5;
	[dreg:$0x0] =	wrdreg $0x0  }
0x20: {  	s5 =	sshll.u32 s28, $0x1;
	[dreg:$0x2] =	wrdreg s3  }
0x21: {  	[dreg:$0x3] =	wrdreg s5  }
0x22: {  	[dreg:$0x4] =	wrdreg $0xC0  }
0x23: {  	_ =	task [dreg:s7], $0x5FFFF  }
0x24: {  	[dreg:$0x1] =	wrdreg $0xFFFFFFFF  }
0x25: {  	[dreg:$0x0] =	wrdreg $0x60  }
0x26: {  	[dreg:$0x2] =	wrdreg s25  }
0x27: {  	[dreg:$0x3] =	wrdreg s2  }
0x28: {  	[dreg:$0x4] =	wrdreg $0x9  }
0x29: {  	_ =	task.clear_ibuf [dreg:s7], $0x5FFFF;
	_ =	strace $0x90000049  }
0x2a: {  	s29 =	simm.s32 $0x9;
	_ =	strace $0x8000004B  }
0x2b: {  	_ =	swait.ge [sflag:s29], $0x1  }
0x2c: {  	[sflag:s29] =	ssyncadd.s32 $0xFFFFFFFF  }
0x2d: {  	_ =	strace $0x9000004B  }
0x2e: {  	_ =	sfence  }
0x2f: {  	s30 =	sld [smem:$0x0];
	_ =	sdelay $0x2  }
0x30: {  	s31 =	sshll.u32 s1, $0xD;
	s1 =	sshrl.u32 s1, $0x2  }
0x31: {  	s3 =	sand.u32 $0x4000, s31;
	s1 =	sadd.s32 s1, s30  }
0x32: {  	s0 =	sor.u32 s3, s0;
	s1 =	sshll.u32 s1, $0x11  }
0x33: {  	s0 =	sor.u32 s1, s0  }
0x34: {  	s0 =	sadd.s32 $0x8F2B, s0  }
0x35: {  	[sflag:s0] =	ssyncadd.remote.s32 $0x1  }
0x36: {  	_ =	sfence.sel $0xFFFF  }
0x37: {  	[dreg:$0x0] =	wrdreg $0xFFFFFFFF;
	(pc) =	sbr.abs _section_cstart, $3  }
0x38: {  	[dreg:$0x1] =	wrdreg $0xFFFFFFFF  }
0x39: {  	_ =	task.clear_ibuf [dreg:s7], $0x2FFFF;
	_ =	strace $0x9FFFFFFF  }
0x3a: {  	(tm) =	ssettm $0x7FFFFFFF  }
0x3b: {  	_ =	shalt  }
tec
execute0_lowered:
.L_overlay_start_1:
0x0: {  	(tag) =	ssettag $0x1  }
0x1: {  	s0 =	srdreg.scid  }
0x2: {  	s1 =	sshll.u32 s0, $0x4  }
0x3: {  	s0 =	stileid.u32;
	s1 =	sand.u32 $0x10, s1  }
0x4: {  	s1 =	sor.u32 s0, s1  }
0x5: {  	s6 =	rddreg [dreg:$0x0];
	s4 =	simm.s32 $0x1;
	s2 =	sshll.u32 s1, $0x6  }
0x6: {  	s7 =	simm.s32 $0x2;
	s13 =	simm.s32 $0x0;
	s1 =	ssub.s32 $0x4000, s2  }
0x7: {  	s8 =	simm.s32 $0x2000;
	s9 =	simm.s32 $0x200000;
	s3 =	sand.u32 $0x7C0, s1  }
0x8: {  	s14 =	simm.s32 $0x0;
	s5 =	sshrl.u32 s1, $0xB;
	p0 =	sne.s32 s3, $0x0  }
.Ltmp0:
0x9: {  	s1 =	rddreg [dreg:$0x2];
	s4 =	simm.s32 @!p0 $0x0;
	(pc) =	sbr.rel .LBB1_1-.Ltmp0, $4  }
0xa: {  	s10 =	simm.s32 $0x0;
	s3 =	rddreg [dreg:$0x1];
	s5 =	sadd.s32 s4, s5  }
0xb: {  	_ =	strace $0x8000004A;
	s4 =	simm.s32 $0x1;
	s5 =	smul.u32 $0xD, s5  }
0xc: {  	s12 =	simm.s32 $0x0;
	s6 =	sadd.s32 $0xA00, s6;
	[sflag:s4] =	ssyncpa.u1 $0x0  }
0xd: {  	s11 =	smov.u32 s2;
	[sflag:s7] =	ssyncpa.u1 $0x0;
	s7 =	sadd.s32 $0x1, s5  }
.LBB1_7:
0xe: {  	s15 =	sadd.s32 $0x2, s10  }
0xf: {  	s13 =	sadd.s32 $0x800, s11;
	s17 =	smov.u32 s11;
	p1 =	sgt.s32 s15, $0x19  }
0x10: {  	s17 =	smov.u32 @p1 s13  }
0x11: {  	s15 =	simm.s32 @p1 $0x0;
	p1 =	sgt.s32 s17, $0x3FFF  }
0x12: {  	s17 =	smov.u32 @p1 s2;
	p1 =	sne.s32 s12, s7  }
.Ltmp1:
0x13: {  	p0 =	slt.u32 s12, $0x2;
	(pc) =	sbr.rel @!p1 .LBB1_8-.Ltmp1, $4  }
0x14: {  	s16 =	simm.s32 @!p0 $0x2  }
0x15: {  	s14 =	smov.u32 s11;
	_ =	swait.ge @!p0 [sflag:s16], $0x4000  }
0x16: {  	s13 =	smov.u32 s10;
	[sflag:s16] =	ssyncset.done @!p0 $0x0;
	s10 =	smov.u32 s15  }
0x17: {  	s12 =	sadd.s32 $0x1, s12;
	[sflag:s16] =	ssyncadd.s32 @!p0 $0xFFFFC000;
	s11 =	smov.u32 s17  }
.LBB1_1:
0x18: {  	p0 =	sge.u32 s12, s5  }
0x19: {  	s31 =	sadd.s32 $0xFFFFFFFF, s12;
	s15 =	sxor.u32 @!p0 $0xFFFFFFFF, s12  }
0x1a: {  	s16 =	sshll.u32 @!p0 s11, $0x9;
	s17 =	sshll.u32 @!p0 s10, $0x4;
	s18 =	simm.s32 @!p0 $0x1000  }
0x1b: {  	s15 =	sshll.u32 @!p0 s15, $0xE;
	s17 =	sand.u32 @!p0 $0x1F0, s17;
	s16 =	sadd.s32 @!p0 s6, s16  }
0x1c: {  	s15 =	sand.u32 @!p0 $0x4000, s15;
	s16 =	sadd.s32 @!p0 s17, s16;
	s17 =	simm.s32 @!p0 $0x100  }
0x1d: {  	[tilespmem:s15], [sflag:$0x1] =	stream.strided.gather @!p0 [hbm4b:s16+s17], $0x4000, s18, s17, $0x38;
	[tilespmem:$0x10000] =	vst v63  }
0x1e: {  	p0 =	sge.u32 s31, s5  }
.Ltmp2:
0x1f: {  	_ = 	snop;
	(pc) =	sbr.rel @p0 .LBB1_7-.Ltmp2, $1  }
0x20: {  	_ =	sdelay $0x3  }
0x21: {  	_ =	swait.ge [sflag:s4], $0x4000;
	s15 =	sshll.u32 s12, $0xE  }
0x22: {  	[sflag:s4] =	ssyncset.done $0x0;
	s16 =	sand.u32 $0x4000, s15  }
0x23: {  	s17 =	simm.s32 $0x0;
	[sflag:s4] =	ssyncadd.s32 $0xFFFFC000;
	s15 =	sor.u32 $0x8000, s16  }
.LBB1_3:
0x24: {  	s18 =	sshll.u32 s17, $0x8  }
0x25: {  	s18 =	sand.u32 $0x3FFFFF00, s18  }
0x26: {  	s19 =	sshll.u32 s17, $0x7;
	s18 =	sadd.s32 s18, s16  }
0x27: {  	s19 =	sand.u32 $0x3FFFFF80, s19;
	v0 =	vmov s18  }
0x28: {  	s19 =	sadd.s32 s19, s15  }
0x29: {  	p0 =	por $0x1, $0x1;
	v1 =	vmov s19;
	s18 =	simm.s32 $0x0  }
.LBB1_4:
0x2a: {  	s19 =	sshll.u32 s18, $0x7  }
0x2b: {  	s19 =	sand.u32 $0x3FFFFF80, s19  }
0x2c: {  	v2 =	vld.idx.msk [tilespmem:v0+s19+$0x0 ss:$0x1], $0xffff  }
0x2d: {  	v3 =	vld.idx.msk [tilespmem:v0+s19+$0x10 ss:$0x1], $0xffff  }
0x2e: {  	v4 =	vld.idx.msk [tilespmem:v0+s19+$0x20 ss:$0x1], $0xffff  }
0x2f: {  	s31 =	sshll.u32 s18, $0xD;
	v5 =	vld.idx.msk [tilespmem:v0+s19+$0x30 ss:$0x1], $0xffff  }
0x30: {  	s18 =	sand.u32 $0x3FFFE000, s31;
	v6 =	vld.idx.msk [tilespmem:v0+s19+$0x40 ss:$0x1], $0xffff  }
0x31: {  	v63 =	vld.idx.msk [tilespmem:v0+s19+$0x70 ss:$0x1], $0xffff;
	[tilespmem:v1+s18+$0x0 ss:$0x1] =	vst.idx.msk $0xffff, v2  }
0x32: {  	v2 =	vld.idx.msk [tilespmem:v0+s19+$0x50 ss:$0x1], $0xffff;
	[tilespmem:v1+s18+$0x10 ss:$0x1] =	vst.idx.msk $0xffff, v3  }
0x33: {  	p1 =	por p0, p0;
	v3 =	vld.idx.msk [tilespmem:v0+s19+$0x60 ss:$0x1], $0xffff;
	[tilespmem:v1+s18+$0x20 ss:$0x1] =	vst.idx.msk $0xffff, v4  }
.Ltmp3:
0x34: {  	[tilespmem:v1+s18+$0x30 ss:$0x1] =	vst.idx.msk $0xffff, v5;
	(pc) =	sbr.rel @p1 .LBB1_4-.Ltmp3, $4  }
0x35: {  	[tilespmem:v1+s18+$0x40 ss:$0x1] =	vst.idx.msk $0xffff, v6  }
0x36: {  	[tilespmem:v1+s18+$0x70 ss:$0x1] =	vst.idx.msk $0xffff, v63  }
0x37: {  	[tilespmem:v1+s18+$0x50 ss:$0x1] =	vst.idx.msk $0xffff, v2  }
0x38: {  	p0 =	por $0x0, $0x0;
	[tilespmem:v1+s18+$0x60 ss:$0x1] =	vst.idx.msk $0xffff, v3;
	s18 =	simm.s32 $0x1  }
0x39: {  	s17 =	sadd.s32 $0x1, s17  }
0x3a: {  	p0 =	sne.s32 s17, $0x40  }
.Ltmp4:
0x3b: {  	_ = 	snop;
	(pc) =	sbr.rel @p0 .LBB1_3-.Ltmp4, $1  }
0x3c: {  	_ =	sdelay $0x3  }
.Ltmp5:
0x3d: {  	s14 =	sshll.u32 s14, $0x4;
	(pc) =	sbr.rel .LBB1_7-.Ltmp5, $4  }
0x3e: {  	s14 =	sand.u32 $0x3FFF0, s14  }
0x3f: {  	s13 =	sshll.u32 s13, $0x12;
	s14 =	sadd.s32 s3, s14  }
0x40: {  	s13 =	sadd.s32 s13, s14  }
0x41: {  	[hbm4b:s13+s8] =	stream.strided.scatter [tilespmem:s15], [sflag:$0x2], $0x4000, s9, s8, $0x38;
	[tilespmem:$0x10000] =	vst v63  }
.LBB1_8:
0x42: {  	_ =	sfence.sel $0x180000  }
0x43: {  	s2 =	simm.s32 $0x1;
	[bflag:$0x0] =	sbarrier.arrive $0xFFFF  }
0x44: {  	s31 =	simm.s32 $0x2;
	[sflag:s2] =	ssyncpa.u1 $0x1  }
0x45: {  	[sflag:s31] =	ssyncpa.u1 $0x1  }
0x46: {  	p0 =	sne.s32 s0, $0x0;
	_ =	strace $0x9000004A  }
0x47: {  	s0 =	sadd.s32 @!p0 $0x100000, s1;
	[bflag:$0x2] =	sbarrier.arrive $0xFFFF  }
0x48: {  	[sflag:s0] =	ssyncadd.tile.s32 @!p0 $0x1;
	_ =	shalt  }
.Lfunc_end1:
_tile_overlayer_lowered:
.L_overlay_start_2:
0x49: {  	(tag) =	ssettag $0x2  }
0x4a: {  	s0 =	rddreg [dreg:$0x0];
	s2 =	stileid.u32  }
0x4b: {  	s1 =	rddreg [dreg:$0x1];
	p0 =	sne.s32 s2, $0x0  }
0x4c: {  	s3 =	rddreg [dreg:$0x2];
	[bflag:$0x3] =	sbarrier.arrive $0xFFFF;
	s2 =	simm.s32 @!p0 $0x1C01  }
0x4d: {  	[timem:s3], [sflag:s2] =	dma.local @!p0 [hbm:s0], s1  }
0x4e: {  	s0 =	simm.s32 @!p0 $0x1  }
0x4f: {  	_ =	swait.ge @!p0 [sflag:s0], s1  }
0x50: {  	s1 =	ssub.s32 @!p0 $0x0, s1;
	[sflag:s0] =	ssyncset.done @!p0 $0x0  }
0x51: {  	[sflag:s0] =	ssyncadd.s32 @!p0 s1  }
0x52: {  	[bflag:$0x3] =	sbarrier.arrive $0xFFFF  }
0x53: {  	_ =	shalt  }

</sc_bundles>
